<compile_context>
chip_gen: v7x
topology: tpu7x:2x2x1
jax: 0.10.2.dev20260603
libtpu: 0.0.44.dev20260713+nightly
codegen_flags: <defaults>
</compile_context>

<pallas_src>
import functools
import jax
import jax.numpy as jnp
from jax import lax
from jax.experimental import pallas as pl
from jax.experimental.pallas import tpu as pltpu
from jax.experimental.pallas import tpu_sc as plsc

NBUF = 5


def _make_kernel(B, S, D):
    info = plsc.get_sparse_core_info()
    NC, NS = info.num_cores, info.num_subcores
    NW = NC * NS
    assert B % NW == 0
    cols = B // NW
    assert S % NBUF == 0
    n_outer = S // NBUF

    mesh = plsc.VectorSubcoreMesh(core_axis_name="c", subcore_axis_name="s")

    @functools.partial(
        pl.kernel,
        mesh=mesh,
        out_type=jax.ShapeDtypeStruct((S, B, D), jnp.float32),
        scratch_types=(
            [pltpu.VMEM((S, cols), jnp.int32)]
            + [pltpu.VMEM((cols, D), jnp.float32) for _ in range(NBUF)]
            + [pltpu.SemaphoreType.DMA] * (2 * NBUF)
        ),
    )
    def k(table_hbm, xt_hbm, out_hbm, idx_v, *rest):
        bufs = rest[:NBUF]
        sems_g = rest[NBUF:2 * NBUF]
        sems_w = rest[2 * NBUF:3 * NBUF]
        wid = lax.axis_index("s") * NC + lax.axis_index("c")
        b0 = wid * cols

        pltpu.sync_copy(xt_hbm.at[:, pl.ds(b0, cols)], idx_v)

        def gather(s, buf, sem):
            return pltpu.async_copy(table_hbm.at[idx_v.at[s]], buf, sem)

        def wait_gather(s, buf, sem):
            pltpu.make_async_copy(table_hbm.at[idx_v.at[s]], buf, sem).wait()

        def write(s, buf, sem):
            return pltpu.async_copy(buf, out_hbm.at[s, pl.ds(b0, cols)], sem)

        def wait_write(s, buf, sem):
            pltpu.make_async_copy(
                buf, out_hbm.at[s, pl.ds(b0, cols)], sem
            ).wait()

        def outer(o, carry):
            s0 = o * NBUF
            for b in range(NBUF):
                @pl.when(o > 0)
                def _():
                    wait_write(s0 - NBUF + b, bufs[b], sems_w[b])

                gather(s0 + b, bufs[b], sems_g[b])
            for b in range(NBUF):
                wait_gather(s0 + b, bufs[b], sems_g[b])
                write(s0 + b, bufs[b], sems_w[b])
            return carry

        lax.fori_loop(0, n_outer, outer, 0)
        for b in range(NBUF):
            wait_write((n_outer - 1) * NBUF + b, bufs[b], sems_w[b])

    return k


def kernel(x, weight):
    B, S = x.shape
    V, D = weight.shape
    k = _make_kernel(B, S, D)
    xt = jnp.transpose(x.astype(jnp.int32), (1, 0))
    out3 = k(weight, xt)
    return jnp.transpose(out3, (1, 0, 2))

# --- scband reference (transcript-rebuilt; emitter-appended) ---
"""Pipeline reference for scband-embedding-layer-72773925863682 (READ-ONLY COPY).

The authoritative reference and input builder live on the scoring server;
editing this copy changes nothing except your own understanding.
"""

import jax, jax.numpy as jnp
import numpy as np

VOCAB = 100000
EMBED_DIM = 128
BATCH = 4096
SEQ_LEN = 50


def setup_inputs(seed: int = 0) -> dict:
    key = jax.random.key(seed)
    k_idx, k_w = jax.random.split(key)
    x = jax.random.randint(k_idx, (BATCH, SEQ_LEN), 0, VOCAB, dtype=jnp.int64) if jax.config.jax_enable_x64 else jax.random.randint(k_idx, (BATCH, SEQ_LEN), 0, VOCAB, dtype=jnp.int32)
    # xavier_uniform_ init for embedding weight: bound = sqrt(6 / (fan_in + fan_out))
    bound = float(np.sqrt(6.0 / (VOCAB + EMBED_DIM)))
    weight = jax.random.uniform(k_w, (VOCAB, EMBED_DIM), minval=-bound, maxval=bound, dtype=jnp.float32)
    return {"x": x, "weight": weight}


def reference(x, weight):
    # nn.Embedding forward: gather rows of the table by index
    return jnp.take(weight, x, axis=0)

if __name__ == "__main__":
    import jax
    _d = setup_inputs()
    print(jax.jit(kernel)(*tuple(_d.values())))

</pallas_src>

<mosaic_0001>
#map = affine_map<(d0, d1) -> (0, 0)>
#map1 = affine_map<(d0, d1) -> (0, 0, 0)>
module attributes {stable_mosaic.version = 14 : i64} {
  func.func @k(%arg0: i32, %arg1: i32, %arg2: memref<100000x128xf32, #tpu.memory_space<hbm>>, %arg3: memref<50x4096xi32, #tpu.memory_space<hbm>>, %arg4: memref<50x4096x128xf32, #tpu.memory_space<hbm>>, %arg5: memref<50x128xi32, #tpu.memory_space<vmem>>, %arg6: memref<128x128xf32, #tpu.memory_space<vmem>>, %arg7: memref<128x128xf32, #tpu.memory_space<vmem>>, %arg8: memref<128x128xf32, #tpu.memory_space<vmem>>, %arg9: memref<128x128xf32, #tpu.memory_space<vmem>>, %arg10: memref<128x128xf32, #tpu.memory_space<vmem>>, %arg11: memref<!tpu.dma_semaphore, #tpu.memory_space<semaphore_mem>>, %arg12: memref<!tpu.dma_semaphore, #tpu.memory_space<semaphore_mem>>, %arg13: memref<!tpu.dma_semaphore, #tpu.memory_space<semaphore_mem>>, %arg14: memref<!tpu.dma_semaphore, #tpu.memory_space<semaphore_mem>>, %arg15: memref<!tpu.dma_semaphore, #tpu.memory_space<semaphore_mem>>, %arg16: memref<!tpu.dma_semaphore, #tpu.memory_space<semaphore_mem>>, %arg17: memref<!tpu.dma_semaphore, #tpu.memory_space<semaphore_mem>>, %arg18: memref<!tpu.dma_semaphore, #tpu.memory_space<semaphore_mem>>, %arg19: memref<!tpu.dma_semaphore, #tpu.memory_space<semaphore_mem>>, %arg20: memref<!tpu.dma_semaphore, #tpu.memory_space<semaphore_mem>>) attributes {dimension_semantics = [#tpu.dimension_semantics<core_parallel>, #tpu.dimension_semantics<subcore_parallel>], iteration_bounds = array<i64: 2, 16>, scalar_prefetch = 0 : i64, scratch_operands = 16 : i64, tpu.core_type = #tpu.core_type<sc_vector_subcore>, window_params = [{transform_indices = #map}, {transform_indices = #map}, {transform_indices = #map1}]} {
    %mul3A = arith.constant 2 : i32
    %mul3A_0 = arith.muli %arg1, %mul3A : i32
    %add3A = arith.addi %mul3A_0, %arg0 : i32
    %mul3A_1 = arith.constant 128 : i32
    %mul3A_2 = arith.muli %add3A, %mul3A_1 : i32
    "tpu.region"() ({
      %run_scoped3A = tpu.sem_alloc : memref<!tpu.dma_semaphore, #tpu.memory_space<semaphore_mem>>
      %dma_start3A = arith.constant 0 : i32
      %dma_start3A_42 = tpu.memref_slice %arg3[%dma_start3A, %mul3A_2] : memref<50x4096xi32, #tpu.memory_space<hbm>> -> memref<50x128xi32, #tpu.memory_space<hbm>>
      %dma_start3A_43 = arith.constant 0 : i32
      %dma_start3A_44 = tpu.memref_slice %arg3[%dma_start3A_43, %mul3A_2] : memref<50x4096xi32, #tpu.memory_space<hbm>> -> memref<50x128xi32, #tpu.memory_space<hbm>>
      tpu.enqueue_dma source(%dma_start3A_44 : memref<50x128xi32, #tpu.memory_space<hbm>>) target(%arg5 : memref<50x128xi32, #tpu.memory_space<vmem>>) target_semaphore(%run_scoped3A : memref<!tpu.dma_semaphore, #tpu.memory_space<semaphore_mem>>)
      %dma_wait3A_45 = arith.constant 0 : i32
      %dma_wait3A_46 = tpu.memref_slice %arg3[%dma_wait3A_45, %mul3A_2] : memref<50x4096xi32, #tpu.memory_space<hbm>> -> memref<50x128xi32, #tpu.memory_space<hbm>>
      %dma_wait3A_47 = arith.constant 0 : i32
      %dma_wait3A_48 = tpu.memref_slice %arg3[%dma_wait3A_47, %mul3A_2] : memref<50x4096xi32, #tpu.memory_space<hbm>> -> memref<50x128xi32, #tpu.memory_space<hbm>>
      tpu.wait_dma2 semaphore(%run_scoped3A : memref<!tpu.dma_semaphore, #tpu.memory_space<semaphore_mem>>) src(%dma_wait3A_48 : memref<50x128xi32, #tpu.memory_space<hbm>>) dst(%arg5 : memref<50x128xi32, #tpu.memory_space<vmem>>)
      tpu.yield
    }) : () -> ()
    %scan3A = arith.constant 0 : i32
    %scan3A_3 = arith.constant 0 : i32
    %scan3A_4 = arith.constant 10 : i32
    %scan3A_5 = arith.addi %scan3A_3, %scan3A_4 : i32
    %scan3A_6 = arith.constant 1 : i32
    scf.for %scan3A_42 = %scan3A_3 to %scan3A_5 step %scan3A_6  : i32 {
      %mul3A_43 = arith.constant 5 : i32
      %mul3A_44 = arith.muli %scan3A_42, %mul3A_43 : i32
      %gt3A = arith.constant 0 : i32
      %gt3A_45 = arith.cmpi sgt, %scan3A_42, %gt3A : i32
      %convert_element_type3A = arith.extui %gt3A_45 : i1 to i32
      %cond3A = arith.constant 0 : i32
      %cond3A_46 = arith.cmpi ne, %convert_element_type3A, %cond3A : i32
      scf.if %cond3A_46 {
        %sub3A = arith.constant 5 : i32
        %sub3A_186 = arith.subi %mul3A_44, %sub3A : i32
        %add3A_187 = arith.constant 0 : i32
        %add3A_188 = arith.addi %sub3A_186, %add3A_187 : i32
        %dma_wait3A_189 = arith.constant 0 : i32
        %dma_wait3A_190 = tpu.memref_slice %arg4[%add3A_188, %mul3A_2, %dma_wait3A_189] : memref<50x4096x128xf32, #tpu.memory_space<hbm>> -> memref<1x128x128xf32, #tpu.memory_space<hbm>>
        %dma_wait3A_191 = tpu.memref_squeeze %dma_wait3A_190 : memref<1x128x128xf32, #tpu.memory_space<hbm>> -> memref<128x128xf32, #tpu.memory_space<hbm>>
        %dma_wait3A_192 = arith.constant 0 : i32
        %dma_wait3A_193 = tpu.memref_slice %arg4[%add3A_188, %mul3A_2, %dma_wait3A_192] : memref<50x4096x128xf32, #tpu.memory_space<hbm>> -> memref<1x128x128xf32, #tpu.memory_space<hbm>>
        %dma_wait3A_194 = tpu.memref_squeeze %dma_wait3A_193 : memref<1x128x128xf32, #tpu.memory_space<hbm>> -> memref<128x128xf32, #tpu.memory_space<hbm>>
        tpu.wait_dma2 semaphore(%arg16 : memref<!tpu.dma_semaphore, #tpu.memory_space<semaphore_mem>>) src(%arg6 : memref<128x128xf32, #tpu.memory_space<vmem>>) dst(%dma_wait3A_194 : memref<128x128xf32, #tpu.memory_space<hbm>>)
      } else {
      }
      %add3A_47 = arith.constant 0 : i32
      %add3A_48 = arith.addi %mul3A_44, %add3A_47 : i32
      %dma_start3A = arith.constant 0 : i32
      %dma_start3A_49 = tpu.memref_slice %arg5[%add3A_48, %dma_start3A] : memref<50x128xi32, #tpu.memory_space<vmem>> -> memref<1x128xi32, #tpu.memory_space<vmem>>
      %dma_start3A_50 = tpu.memref_squeeze %dma_start3A_49 : memref<1x128xi32, #tpu.memory_space<vmem>> -> memref<128xi32, #tpu.memory_space<vmem>>
      %dma_start3A_51 = arith.constant 0 : i32
      %dma_start3A_52 = arith.constant 0 : i32
      %dma_start3A_53 = tpu.memref_slice %arg2[%dma_start3A_51, %dma_start3A_52] : memref<100000x128xf32, #tpu.memory_space<hbm>> -> memref<100000x128xf32, #tpu.memory_space<hbm>>
      tpu.enqueue_indirect_dma source(%dma_start3A_53 : memref<100000x128xf32, #tpu.memory_space<hbm>>) target(%arg6 : memref<128x128xf32, #tpu.memory_space<vmem>>) offsets(%dma_start3A_50 : memref<128xi32, #tpu.memory_space<vmem>>) semaphore(%arg11 : memref<!tpu.dma_semaphore, #tpu.memory_space<semaphore_mem>>)
      %gt3A_54 = arith.constant 0 : i32
      %gt3A_55 = arith.cmpi sgt, %scan3A_42, %gt3A_54 : i32
      %convert_element_type3A_56 = arith.extui %gt3A_55 : i1 to i32
      %cond3A_57 = arith.constant 0 : i32
      %cond3A_58 = arith.cmpi ne, %convert_element_type3A_56, %cond3A_57 : i32
      scf.if %cond3A_58 {
        %sub3A = arith.constant 5 : i32
        %sub3A_186 = arith.subi %mul3A_44, %sub3A : i32
        %add3A_187 = arith.constant 1 : i32
        %add3A_188 = arith.addi %sub3A_186, %add3A_187 : i32
        %dma_wait3A_189 = arith.constant 0 : i32
        %dma_wait3A_190 = tpu.memref_slice %arg4[%add3A_188, %mul3A_2, %dma_wait3A_189] : memref<50x4096x128xf32, #tpu.memory_space<hbm>> -> memref<1x128x128xf32, #tpu.memory_space<hbm>>
        %dma_wait3A_191 = tpu.memref_squeeze %dma_wait3A_190 : memref<1x128x128xf32, #tpu.memory_space<hbm>> -> memref<128x128xf32, #tpu.memory_space<hbm>>
        %dma_wait3A_192 = arith.constant 0 : i32
        %dma_wait3A_193 = tpu.memref_slice %arg4[%add3A_188, %mul3A_2, %dma_wait3A_192] : memref<50x4096x128xf32, #tpu.memory_space<hbm>> -> memref<1x128x128xf32, #tpu.memory_space<hbm>>
        %dma_wait3A_194 = tpu.memref_squeeze %dma_wait3A_193 : memref<1x128x128xf32, #tpu.memory_space<hbm>> -> memref<128x128xf32, #tpu.memory_space<hbm>>
        tpu.wait_dma2 semaphore(%arg17 : memref<!tpu.dma_semaphore, #tpu.memory_space<semaphore_mem>>) src(%arg7 : memref<128x128xf32, #tpu.memory_space<vmem>>) dst(%dma_wait3A_194 : memref<128x128xf32, #tpu.memory_space<hbm>>)
      } else {
      }
      %add3A_59 = arith.constant 1 : i32
      %add3A_60 = arith.addi %mul3A_44, %add3A_59 : i32
      %dma_start3A_61 = arith.constant 0 : i32
      %dma_start3A_62 = tpu.memref_slice %arg5[%add3A_60, %dma_start3A_61] : memref<50x128xi32, #tpu.memory_space<vmem>> -> memref<1x128xi32, #tpu.memory_space<vmem>>
      %dma_start3A_63 = tpu.memref_squeeze %dma_start3A_62 : memref<1x128xi32, #tpu.memory_space<vmem>> -> memref<128xi32, #tpu.memory_space<vmem>>
      %dma_start3A_64 = arith.constant 0 : i32
      %dma_start3A_65 = arith.constant 0 : i32
      %dma_start3A_66 = tpu.memref_slice %arg2[%dma_start3A_64, %dma_start3A_65] : memref<100000x128xf32, #tpu.memory_space<hbm>> -> memref<100000x128xf32, #tpu.memory_space<hbm>>
      tpu.enqueue_indirect_dma source(%dma_start3A_66 : memref<100000x128xf32, #tpu.memory_space<hbm>>) target(%arg7 : memref<128x128xf32, #tpu.memory_space<vmem>>) offsets(%dma_start3A_63 : memref<128xi32, #tpu.memory_space<vmem>>) semaphore(%arg12 : memref<!tpu.dma_semaphore, #tpu.memory_space<semaphore_mem>>)
      %gt3A_67 = arith.constant 0 : i32
      %gt3A_68 = arith.cmpi sgt, %scan3A_42, %gt3A_67 : i32
      %convert_element_type3A_69 = arith.extui %gt3A_68 : i1 to i32
      %cond3A_70 = arith.constant 0 : i32
      %cond3A_71 = arith.cmpi ne, %convert_element_type3A_69, %cond3A_70 : i32
      scf.if %cond3A_71 {
        %sub3A = arith.constant 5 : i32
        %sub3A_186 = arith.subi %mul3A_44, %sub3A : i32
        %add3A_187 = arith.constant 2 : i32
        %add3A_188 = arith.addi %sub3A_186, %add3A_187 : i32
        %dma_wait3A_189 = arith.constant 0 : i32
        %dma_wait3A_190 = tpu.memref_slice %arg4[%add3A_188, %mul3A_2, %dma_wait3A_189] : memref<50x4096x128xf32, #tpu.memory_space<hbm>> -> memref<1x128x128xf32, #tpu.memory_space<hbm>>
        %dma_wait3A_191 = tpu.memref_squeeze %dma_wait3A_190 : memref<1x128x128xf32, #tpu.memory_space<hbm>> -> memref<128x128xf32, #tpu.memory_space<hbm>>
        %dma_wait3A_192 = arith.constant 0 : i32
        %dma_wait3A_193 = tpu.memref_slice %arg4[%add3A_188, %mul3A_2, %dma_wait3A_192] : memref<50x4096x128xf32, #tpu.memory_space<hbm>> -> memref<1x128x128xf32, #tpu.memory_space<hbm>>
        %dma_wait3A_194 = tpu.memref_squeeze %dma_wait3A_193 : memref<1x128x128xf32, #tpu.memory_space<hbm>> -> memref<128x128xf32, #tpu.memory_space<hbm>>
        tpu.wait_dma2 semaphore(%arg18 : memref<!tpu.dma_semaphore, #tpu.memory_space<semaphore_mem>>) src(%arg8 : memref<128x128xf32, #tpu.memory_space<vmem>>) dst(%dma_wait3A_194 : memref<128x128xf32, #tpu.memory_space<hbm>>)
      } else {
      }
      %add3A_72 = arith.constant 2 : i32
      %add3A_73 = arith.addi %mul3A_44, %add3A_72 : i32
      %dma_start3A_74 = arith.constant 0 : i32
      %dma_start3A_75 = tpu.memref_slice %arg5[%add3A_73, %dma_start3A_74] : memref<50x128xi32, #tpu.memory_space<vmem>> -> memref<1x128xi32, #tpu.memory_space<vmem>>
      %dma_start3A_76 = tpu.memref_squeeze %dma_start3A_75 : memref<1x128xi32, #tpu.memory_space<vmem>> -> memref<128xi32, #tpu.memory_space<vmem>>
      %dma_start3A_77 = arith.constant 0 : i32
      %dma_start3A_78 = arith.constant 0 : i32
      %dma_start3A_79 = tpu.memref_slice %arg2[%dma_start3A_77, %dma_start3A_78] : memref<100000x128xf32, #tpu.memory_space<hbm>> -> memref<100000x128xf32, #tpu.memory_space<hbm>>
      tpu.enqueue_indirect_dma source(%dma_start3A_79 : memref<100000x128xf32, #tpu.memory_space<hbm>>) target(%arg8 : memref<128x128xf32, #tpu.memory_space<vmem>>) offsets(%dma_start3A_76 : memref<128xi32, #tpu.memory_space<vmem>>) semaphore(%arg13 : memref<!tpu.dma_semaphore, #tpu.memory_space<semaphore_mem>>)
      %gt3A_80 = arith.constant 0 : i32
      %gt3A_81 = arith.cmpi sgt, %scan3A_42, %gt3A_80 : i32
      %convert_element_type3A_82 = arith.extui %gt3A_81 : i1 to i32
      %cond3A_83 = arith.constant 0 : i32
      %cond3A_84 = arith.cmpi ne, %convert_element_type3A_82, %cond3A_83 : i32
      scf.if %cond3A_84 {
        %sub3A = arith.constant 5 : i32
        %sub3A_186 = arith.subi %mul3A_44, %sub3A : i32
        %add3A_187 = arith.constant 3 : i32
        %add3A_188 = arith.addi %sub3A_186, %add3A_187 : i32
        %dma_wait3A_189 = arith.constant 0 : i32
        %dma_wait3A_190 = tpu.memref_slice %arg4[%add3A_188, %mul3A_2, %dma_wait3A_189] : memref<50x4096x128xf32, #tpu.memory_space<hbm>> -> memref<1x128x128xf32, #tpu.memory_space<hbm>>
        %dma_wait3A_191 = tpu.memref_squeeze %dma_wait3A_190 : memref<1x128x128xf32, #tpu.memory_space<hbm>> -> memref<128x128xf32, #tpu.memory_space<hbm>>
        %dma_wait3A_192 = arith.constant 0 : i32
        %dma_wait3A_193 = tpu.memref_slice %arg4[%add3A_188, %mul3A_2, %dma_wait3A_192] : memref<50x4096x128xf32, #tpu.memory_space<hbm>> -> memref<1x128x128xf32, #tpu.memory_space<hbm>>
        %dma_wait3A_194 = tpu.memref_squeeze %dma_wait3A_193 : memref<1x128x128xf32, #tpu.memory_space<hbm>> -> memref<128x128xf32, #tpu.memory_space<hbm>>
        tpu.wait_dma2 semaphore(%arg19 : memref<!tpu.dma_semaphore, #tpu.memory_space<semaphore_mem>>) src(%arg9 : memref<128x128xf32, #tpu.memory_space<vmem>>) dst(%dma_wait3A_194 : memref<128x128xf32, #tpu.memory_space<hbm>>)
      } else {
      }
      %add3A_85 = arith.constant 3 : i32
      %add3A_86 = arith.addi %mul3A_44, %add3A_85 : i32
      %dma_start3A_87 = arith.constant 0 : i32
      %dma_start3A_88 = tpu.memref_slice %arg5[%add3A_86, %dma_start3A_87] : memref<50x128xi32, #tpu.memory_space<vmem>> -> memref<1x128xi32, #tpu.memory_space<vmem>>
      %dma_start3A_89 = tpu.memref_squeeze %dma_start3A_88 : memref<1x128xi32, #tpu.memory_space<vmem>> -> memref<128xi32, #tpu.memory_space<vmem>>
      %dma_start3A_90 = arith.constant 0 : i32
      %dma_start3A_91 = arith.constant 0 : i32
      %dma_start3A_92 = tpu.memref_slice %arg2[%dma_start3A_90, %dma_start3A_91] : memref<100000x128xf32, #tpu.memory_space<hbm>> -> memref<100000x128xf32, #tpu.memory_space<hbm>>
      tpu.enqueue_indirect_dma source(%dma_start3A_92 : memref<100000x128xf32, #tpu.memory_space<hbm>>) target(%arg9 : memref<128x128xf32, #tpu.memory_space<vmem>>) offsets(%dma_start3A_89 : memref<128xi32, #tpu.memory_space<vmem>>) semaphore(%arg14 : memref<!tpu.dma_semaphore, #tpu.memory_space<semaphore_mem>>)
      %gt3A_93 = arith.constant 0 : i32
      %gt3A_94 = arith.cmpi sgt, %scan3A_42, %gt3A_93 : i32
      %convert_element_type3A_95 = arith.extui %gt3A_94 : i1 to i32
      %cond3A_96 = arith.constant 0 : i32
      %cond3A_97 = arith.cmpi ne, %convert_element_type3A_95, %cond3A_96 : i32
      scf.if %cond3A_97 {
        %sub3A = arith.constant 5 : i32
        %sub3A_186 = arith.subi %mul3A_44, %sub3A : i32
        %add3A_187 = arith.constant 4 : i32
        %add3A_188 = arith.addi %sub3A_186, %add3A_187 : i32
        %dma_wait3A_189 = arith.constant 0 : i32
        %dma_wait3A_190 = tpu.memref_slice %arg4[%add3A_188, %mul3A_2, %dma_wait3A_189] : memref<50x4096x128xf32, #tpu.memory_space<hbm>> -> memref<1x128x128xf32, #tpu.memory_space<hbm>>
        %dma_wait3A_191 = tpu.memref_squeeze %dma_wait3A_190 : memref<1x128x128xf32, #tpu.memory_space<hbm>> -> memref<128x128xf32, #tpu.memory_space<hbm>>
        %dma_wait3A_192 = arith.constant 0 : i32
        %dma_wait3A_193 = tpu.memref_slice %arg4[%add3A_188, %mul3A_2, %dma_wait3A_192] : memref<50x4096x128xf32, #tpu.memory_space<hbm>> -> memref<1x128x128xf32, #tpu.memory_space<hbm>>
        %dma_wait3A_194 = tpu.memref_squeeze %dma_wait3A_193 : memref<1x128x128xf32, #tpu.memory_space<hbm>> -> memref<128x128xf32, #tpu.memory_space<hbm>>
        tpu.wait_dma2 semaphore(%arg20 : memref<!tpu.dma_semaphore, #tpu.memory_space<semaphore_mem>>) src(%arg10 : memref<128x128xf32, #tpu.memory_space<vmem>>) dst(%dma_wait3A_194 : memref<128x128xf32, #tpu.memory_space<hbm>>)
      } else {
      }
      %add3A_98 = arith.constant 4 : i32
      %add3A_99 = arith.addi %mul3A_44, %add3A_98 : i32
      %dma_start3A_100 = arith.constant 0 : i32
      %dma_start3A_101 = tpu.memref_slice %arg5[%add3A_99, %dma_start3A_100] : memref<50x128xi32, #tpu.memory_space<vmem>> -> memref<1x128xi32, #tpu.memory_space<vmem>>
      %dma_start3A_102 = tpu.memref_squeeze %dma_start3A_101 : memref<1x128xi32, #tpu.memory_space<vmem>> -> memref<128xi32, #tpu.memory_space<vmem>>
      %dma_start3A_103 = arith.constant 0 : i32
      %dma_start3A_104 = arith.constant 0 : i32
      %dma_start3A_105 = tpu.memref_slice %arg2[%dma_start3A_103, %dma_start3A_104] : memref<100000x128xf32, #tpu.memory_space<hbm>> -> memref<100000x128xf32, #tpu.memory_space<hbm>>
      tpu.enqueue_indirect_dma source(%dma_start3A_105 : memref<100000x128xf32, #tpu.memory_space<hbm>>) target(%arg10 : memref<128x128xf32, #tpu.memory_space<vmem>>) offsets(%dma_start3A_102 : memref<128xi32, #tpu.memory_space<vmem>>) semaphore(%arg15 : memref<!tpu.dma_semaphore, #tpu.memory_space<semaphore_mem>>)
      %add3A_106 = arith.constant 0 : i32
      %add3A_107 = arith.addi %mul3A_44, %add3A_106 : i32
      %dma_wait3A_108 = arith.constant 0 : i32
      %dma_wait3A_109 = tpu.memref_slice %arg5[%add3A_107, %dma_wait3A_108] : memref<50x128xi32, #tpu.memory_space<vmem>> -> memref<1x128xi32, #tpu.memory_space<vmem>>
      %dma_wait3A_110 = tpu.memref_squeeze %dma_wait3A_109 : memref<1x128xi32, #tpu.memory_space<vmem>> -> memref<128xi32, #tpu.memory_space<vmem>>
      %dma_wait3A_111 = arith.constant 0 : i32
      %dma_wait3A_112 = arith.constant 0 : i32
      %dma_wait3A_113 = tpu.memref_slice %arg2[%dma_wait3A_111, %dma_wait3A_112] : memref<100000x128xf32, #tpu.memory_space<hbm>> -> memref<100000x128xf32, #tpu.memory_space<hbm>>
      tpu.wait_indirect_dma semaphore(%arg11 : memref<!tpu.dma_semaphore, #tpu.memory_space<semaphore_mem>>) src(%dma_wait3A_113 : memref<100000x128xf32, #tpu.memory_space<hbm>>) dst(%arg6 : memref<128x128xf32, #tpu.memory_space<vmem>>)
      %add3A_114 = arith.constant 0 : i32
      %add3A_115 = arith.addi %mul3A_44, %add3A_114 : i32
      %dma_start3A_116 = arith.constant 0 : i32
      %dma_start3A_117 = tpu.memref_slice %arg4[%add3A_115, %mul3A_2, %dma_start3A_116] : memref<50x4096x128xf32, #tpu.memory_space<hbm>> -> memref<1x128x128xf32, #tpu.memory_space<hbm>>
      %dma_start3A_118 = tpu.memref_squeeze %dma_start3A_117 : memref<1x128x128xf32, #tpu.memory_space<hbm>> -> memref<128x128xf32, #tpu.memory_space<hbm>>
      %dma_start3A_119 = arith.constant 0 : i32
      %dma_start3A_120 = tpu.memref_slice %arg4[%add3A_115, %mul3A_2, %dma_start3A_119] : memref<50x4096x128xf32, #tpu.memory_space<hbm>> -> memref<1x128x128xf32, #tpu.memory_space<hbm>>
      %dma_start3A_121 = tpu.memref_squeeze %dma_start3A_120 : memref<1x128x128xf32, #tpu.memory_space<hbm>> -> memref<128x128xf32, #tpu.memory_space<hbm>>
      tpu.enqueue_dma source(%arg6 : memref<128x128xf32, #tpu.memory_space<vmem>>) target(%dma_start3A_121 : memref<128x128xf32, #tpu.memory_space<hbm>>) target_semaphore(%arg16 : memref<!tpu.dma_semaphore, #tpu.memory_space<semaphore_mem>>)
      %add3A_122 = arith.constant 1 : i32
      %add3A_123 = arith.addi %mul3A_44, %add3A_122 : i32
      %dma_wait3A_124 = arith.constant 0 : i32
      %dma_wait3A_125 = tpu.memref_slice %arg5[%add3A_123, %dma_wait3A_124] : memref<50x128xi32, #tpu.memory_space<vmem>> -> memref<1x128xi32, #tpu.memory_space<vmem>>
      %dma_wait3A_126 = tpu.memref_squeeze %dma_wait3A_125 : memref<1x128xi32, #tpu.memory_space<vmem>> -> memref<128xi32, #tpu.memory_space<vmem>>
      %dma_wait3A_127 = arith.constant 0 : i32
      %dma_wait3A_128 = arith.constant 0 : i32
      %dma_wait3A_129 = tpu.memref_slice %arg2[%dma_wait3A_127, %dma_wait3A_128] : memref<100000x128xf32, #tpu.memory_space<hbm>> -> memref<100000x128xf32, #tpu.memory_space<hbm>>
      tpu.wait_indirect_dma semaphore(%arg12 : memref<!tpu.dma_semaphore, #tpu.memory_space<semaphore_mem>>) src(%dma_wait3A_129 : memref<100000x128xf32, #tpu.memory_space<hbm>>) dst(%arg7 : memref<128x128xf32, #tpu.memory_space<vmem>>)
      %add3A_130 = arith.constant 1 : i32
      %add3A_131 = arith.addi %mul3A_44, %add3A_130 : i32
      %dma_start3A_132 = arith.constant 0 : i32
      %dma_start3A_133 = tpu.memref_slice %arg4[%add3A_131, %mul3A_2, %dma_start3A_132] : memref<50x4096x128xf32, #tpu.memory_space<hbm>> -> memref<1x128x128xf32, #tpu.memory_space<hbm>>
      %dma_start3A_134 = tpu.memref_squeeze %dma_start3A_133 : memref<1x128x128xf32, #tpu.memory_space<hbm>> -> memref<128x128xf32, #tpu.memory_space<hbm>>
      %dma_start3A_135 = arith.constant 0 : i32
      %dma_start3A_136 = tpu.memref_slice %arg4[%add3A_131, %mul3A_2, %dma_start3A_135] : memref<50x4096x128xf32, #tpu.memory_space<hbm>> -> memref<1x128x128xf32, #tpu.memory_space<hbm>>
      %dma_start3A_137 = tpu.memref_squeeze %dma_start3A_136 : memref<1x128x128xf32, #tpu.memory_space<hbm>> -> memref<128x128xf32, #tpu.memory_space<hbm>>
      tpu.enqueue_dma source(%arg7 : memref<128x128xf32, #tpu.memory_space<vmem>>) target(%dma_start3A_137 : memref<128x128xf32, #tpu.memory_space<hbm>>) target_semaphore(%arg17 : memref<!tpu.dma_semaphore, #tpu.memory_space<semaphore_mem>>)
      %add3A_138 = arith.constant 2 : i32
      %add3A_139 = arith.addi %mul3A_44, %add3A_138 : i32
      %dma_wait3A_140 = arith.constant 0 : i32
      %dma_wait3A_141 = tpu.memref_slice %arg5[%add3A_139, %dma_wait3A_140] : memref<50x128xi32, #tpu.memory_space<vmem>> -> memref<1x128xi32, #tpu.memory_space<vmem>>
      %dma_wait3A_142 = tpu.memref_squeeze %dma_wait3A_141 : memref<1x128xi32, #tpu.memory_space<vmem>> -> memref<128xi32, #tpu.memory_space<vmem>>
      %dma_wait3A_143 = arith.constant 0 : i32
      %dma_wait3A_144 = arith.constant 0 : i32
      %dma_wait3A_145 = tpu.memref_slice %arg2[%dma_wait3A_143, %dma_wait3A_144] : memref<100000x128xf32, #tpu.memory_space<hbm>> -> memref<100000x128xf32, #tpu.memory_space<hbm>>
      tpu.wait_indirect_dma semaphore(%arg13 : memref<!tpu.dma_semaphore, #tpu.memory_space<semaphore_mem>>) src(%dma_wait3A_145 : memref<100000x128xf32, #tpu.memory_space<hbm>>) dst(%arg8 : memref<128x128xf32, #tpu.memory_space<vmem>>)
      %add3A_146 = arith.constant 2 : i32
      %add3A_147 = arith.addi %mul3A_44, %add3A_146 : i32
      %dma_start3A_148 = arith.constant 0 : i32
      %dma_start3A_149 = tpu.memref_slice %arg4[%add3A_147, %mul3A_2, %dma_start3A_148] : memref<50x4096x128xf32, #tpu.memory_space<hbm>> -> memref<1x128x128xf32, #tpu.memory_space<hbm>>
      %dma_start3A_150 = tpu.memref_squeeze %dma_start3A_149 : memref<1x128x128xf32, #tpu.memory_space<hbm>> -> memref<128x128xf32, #tpu.memory_space<hbm>>
      %dma_start3A_151 = arith.constant 0 : i32
      %dma_start3A_152 = tpu.memref_slice %arg4[%add3A_147, %mul3A_2, %dma_start3A_151] : memref<50x4096x128xf32, #tpu.memory_space<hbm>> -> memref<1x128x128xf32, #tpu.memory_space<hbm>>
      %dma_start3A_153 = tpu.memref_squeeze %dma_start3A_152 : memref<1x128x128xf32, #tpu.memory_space<hbm>> -> memref<128x128xf32, #tpu.memory_space<hbm>>
      tpu.enqueue_dma source(%arg8 : memref<128x128xf32, #tpu.memory_space<vmem>>) target(%dma_start3A_153 : memref<128x128xf32, #tpu.memory_space<hbm>>) target_semaphore(%arg18 : memref<!tpu.dma_semaphore, #tpu.memory_space<semaphore_mem>>)
      %add3A_154 = arith.constant 3 : i32
      %add3A_155 = arith.addi %mul3A_44, %add3A_154 : i32
      %dma_wait3A_156 = arith.constant 0 : i32
      %dma_wait3A_157 = tpu.memref_slice %arg5[%add3A_155, %dma_wait3A_156] : memref<50x128xi32, #tpu.memory_space<vmem>> -> memref<1x128xi32, #tpu.memory_space<vmem>>
      %dma_wait3A_158 = tpu.memref_squeeze %dma_wait3A_157 : memref<1x128xi32, #tpu.memory_space<vmem>> -> memref<128xi32, #tpu.memory_space<vmem>>
      %dma_wait3A_159 = arith.constant 0 : i32
      %dma_wait3A_160 = arith.constant 0 : i32
      %dma_wait3A_161 = tpu.memref_slice %arg2[%dma_wait3A_159, %dma_wait3A_160] : memref<100000x128xf32, #tpu.memory_space<hbm>> -> memref<100000x128xf32, #tpu.memory_space<hbm>>
      tpu.wait_indirect_dma semaphore(%arg14 : memref<!tpu.dma_semaphore, #tpu.memory_space<semaphore_mem>>) src(%dma_wait3A_161 : memref<100000x128xf32, #tpu.memory_space<hbm>>) dst(%arg9 : memref<128x128xf32, #tpu.memory_space<vmem>>)
      %add3A_162 = arith.constant 3 : i32
      %add3A_163 = arith.addi %mul3A_44, %add3A_162 : i32
      %dma_start3A_164 = arith.constant 0 : i32
      %dma_start3A_165 = tpu.memref_slice %arg4[%add3A_163, %mul3A_2, %dma_start3A_164] : memref<50x4096x128xf32, #tpu.memory_space<hbm>> -> memref<1x128x128xf32, #tpu.memory_space<hbm>>
      %dma_start3A_166 = tpu.memref_squeeze %dma_start3A_165 : memref<1x128x128xf32, #tpu.memory_space<hbm>> -> memref<128x128xf32, #tpu.memory_space<hbm>>
      %dma_start3A_167 = arith.constant 0 : i32
      %dma_start3A_168 = tpu.memref_slice %arg4[%add3A_163, %mul3A_2, %dma_start3A_167] : memref<50x4096x128xf32, #tpu.memory_space<hbm>> -> memref<1x128x128xf32, #tpu.memory_space<hbm>>
      %dma_start3A_169 = tpu.memref_squeeze %dma_start3A_168 : memref<1x128x128xf32, #tpu.memory_space<hbm>> -> memref<128x128xf32, #tpu.memory_space<hbm>>
      tpu.enqueue_dma source(%arg9 : memref<128x128xf32, #tpu.memory_space<vmem>>) target(%dma_start3A_169 : memref<128x128xf32, #tpu.memory_space<hbm>>) target_semaphore(%arg19 : memref<!tpu.dma_semaphore, #tpu.memory_space<semaphore_mem>>)
      %add3A_170 = arith.constant 4 : i32
      %add3A_171 = arith.addi %mul3A_44, %add3A_170 : i32
      %dma_wait3A_172 = arith.constant 0 : i32
      %dma_wait3A_173 = tpu.memref_slice %arg5[%add3A_171, %dma_wait3A_172] : memref<50x128xi32, #tpu.memory_space<vmem>> -> memref<1x128xi32, #tpu.memory_space<vmem>>
      %dma_wait3A_174 = tpu.memref_squeeze %dma_wait3A_173 : memref<1x128xi32, #tpu.memory_space<vmem>> -> memref<128xi32, #tpu.memory_space<vmem>>
      %dma_wait3A_175 = arith.constant 0 : i32
      %dma_wait3A_176 = arith.constant 0 : i32
      %dma_wait3A_177 = tpu.memref_slice %arg2[%dma_wait3A_175, %dma_wait3A_176] : memref<100000x128xf32, #tpu.memory_space<hbm>> -> memref<100000x128xf32, #tpu.memory_space<hbm>>
      tpu.wait_indirect_dma semaphore(%arg15 : memref<!tpu.dma_semaphore, #tpu.memory_space<semaphore_mem>>) src(%dma_wait3A_177 : memref<100000x128xf32, #tpu.memory_space<hbm>>) dst(%arg10 : memref<128x128xf32, #tpu.memory_space<vmem>>)
      %add3A_178 = arith.constant 4 : i32
      %add3A_179 = arith.addi %mul3A_44, %add3A_178 : i32
      %dma_start3A_180 = arith.constant 0 : i32
      %dma_start3A_181 = tpu.memref_slice %arg4[%add3A_179, %mul3A_2, %dma_start3A_180] : memref<50x4096x128xf32, #tpu.memory_space<hbm>> -> memref<1x128x128xf32, #tpu.memory_space<hbm>>
      %dma_start3A_182 = tpu.memref_squeeze %dma_start3A_181 : memref<1x128x128xf32, #tpu.memory_space<hbm>> -> memref<128x128xf32, #tpu.memory_space<hbm>>
      %dma_start3A_183 = arith.constant 0 : i32
      %dma_start3A_184 = tpu.memref_slice %arg4[%add3A_179, %mul3A_2, %dma_start3A_183] : memref<50x4096x128xf32, #tpu.memory_space<hbm>> -> memref<1x128x128xf32, #tpu.memory_space<hbm>>
      %dma_start3A_185 = tpu.memref_squeeze %dma_start3A_184 : memref<1x128x128xf32, #tpu.memory_space<hbm>> -> memref<128x128xf32, #tpu.memory_space<hbm>>
      tpu.enqueue_dma source(%arg10 : memref<128x128xf32, #tpu.memory_space<vmem>>) target(%dma_start3A_185 : memref<128x128xf32, #tpu.memory_space<hbm>>) target_semaphore(%arg20 : memref<!tpu.dma_semaphore, #tpu.memory_space<semaphore_mem>>)
    }
    %scan3A_7 = arith.constant 10 : i32
    %dma_wait3A = arith.constant 45 : i32
    %dma_wait3A_8 = arith.constant 0 : i32
    %dma_wait3A_9 = tpu.memref_slice %arg4[%dma_wait3A, %mul3A_2, %dma_wait3A_8] : memref<50x4096x128xf32, #tpu.memory_space<hbm>> -> memref<1x128x128xf32, #tpu.memory_space<hbm>>
    %dma_wait3A_10 = tpu.memref_squeeze %dma_wait3A_9 : memref<1x128x128xf32, #tpu.memory_space<hbm>> -> memref<128x128xf32, #tpu.memory_space<hbm>>
    %dma_wait3A_11 = arith.constant 0 : i32
    %dma_wait3A_12 = tpu.memref_slice %arg4[%dma_wait3A, %mul3A_2, %dma_wait3A_11] : memref<50x4096x128xf32, #tpu.memory_space<hbm>> -> memref<1x128x128xf32, #tpu.memory_space<hbm>>
    %dma_wait3A_13 = tpu.memref_squeeze %dma_wait3A_12 : memref<1x128x128xf32, #tpu.memory_space<hbm>> -> memref<128x128xf32, #tpu.memory_space<hbm>>
    tpu.wait_dma2 semaphore(%arg16 : memref<!tpu.dma_semaphore, #tpu.memory_space<semaphore_mem>>) src(%arg6 : memref<128x128xf32, #tpu.memory_space<vmem>>) dst(%dma_wait3A_13 : memref<128x128xf32, #tpu.memory_space<hbm>>)
    %dma_wait3A_14 = arith.constant 46 : i32
    %dma_wait3A_15 = arith.constant 0 : i32
    %dma_wait3A_16 = tpu.memref_slice %arg4[%dma_wait3A_14, %mul3A_2, %dma_wait3A_15] : memref<50x4096x128xf32, #tpu.memory_space<hbm>> -> memref<1x128x128xf32, #tpu.memory_space<hbm>>
    %dma_wait3A_17 = tpu.memref_squeeze %dma_wait3A_16 : memref<1x128x128xf32, #tpu.memory_space<hbm>> -> memref<128x128xf32, #tpu.memory_space<hbm>>
    %dma_wait3A_18 = arith.constant 0 : i32
    %dma_wait3A_19 = tpu.memref_slice %arg4[%dma_wait3A_14, %mul3A_2, %dma_wait3A_18] : memref<50x4096x128xf32, #tpu.memory_space<hbm>> -> memref<1x128x128xf32, #tpu.memory_space<hbm>>
    %dma_wait3A_20 = tpu.memref_squeeze %dma_wait3A_19 : memref<1x128x128xf32, #tpu.memory_space<hbm>> -> memref<128x128xf32, #tpu.memory_space<hbm>>
    tpu.wait_dma2 semaphore(%arg17 : memref<!tpu.dma_semaphore, #tpu.memory_space<semaphore_mem>>) src(%arg7 : memref<128x128xf32, #tpu.memory_space<vmem>>) dst(%dma_wait3A_20 : memref<128x128xf32, #tpu.memory_space<hbm>>)
    %dma_wait3A_21 = arith.constant 47 : i32
    %dma_wait3A_22 = arith.constant 0 : i32
    %dma_wait3A_23 = tpu.memref_slice %arg4[%dma_wait3A_21, %mul3A_2, %dma_wait3A_22] : memref<50x4096x128xf32, #tpu.memory_space<hbm>> -> memref<1x128x128xf32, #tpu.memory_space<hbm>>
    %dma_wait3A_24 = tpu.memref_squeeze %dma_wait3A_23 : memref<1x128x128xf32, #tpu.memory_space<hbm>> -> memref<128x128xf32, #tpu.memory_space<hbm>>
    %dma_wait3A_25 = arith.constant 0 : i32
    %dma_wait3A_26 = tpu.memref_slice %arg4[%dma_wait3A_21, %mul3A_2, %dma_wait3A_25] : memref<50x4096x128xf32, #tpu.memory_space<hbm>> -> memref<1x128x128xf32, #tpu.memory_space<hbm>>
    %dma_wait3A_27 = tpu.memref_squeeze %dma_wait3A_26 : memref<1x128x128xf32, #tpu.memory_space<hbm>> -> memref<128x128xf32, #tpu.memory_space<hbm>>
    tpu.wait_dma2 semaphore(%arg18 : memref<!tpu.dma_semaphore, #tpu.memory_space<semaphore_mem>>) src(%arg8 : memref<128x128xf32, #tpu.memory_space<vmem>>) dst(%dma_wait3A_27 : memref<128x128xf32, #tpu.memory_space<hbm>>)
    %dma_wait3A_28 = arith.constant 48 : i32
    %dma_wait3A_29 = arith.constant 0 : i32
    %dma_wait3A_30 = tpu.memref_slice %arg4[%dma_wait3A_28, %mul3A_2, %dma_wait3A_29] : memref<50x4096x128xf32, #tpu.memory_space<hbm>> -> memref<1x128x128xf32, #tpu.memory_space<hbm>>
    %dma_wait3A_31 = tpu.memref_squeeze %dma_wait3A_30 : memref<1x128x128xf32, #tpu.memory_space<hbm>> -> memref<128x128xf32, #tpu.memory_space<hbm>>
    %dma_wait3A_32 = arith.constant 0 : i32
    %dma_wait3A_33 = tpu.memref_slice %arg4[%dma_wait3A_28, %mul3A_2, %dma_wait3A_32] : memref<50x4096x128xf32, #tpu.memory_space<hbm>> -> memref<1x128x128xf32, #tpu.memory_space<hbm>>
    %dma_wait3A_34 = tpu.memref_squeeze %dma_wait3A_33 : memref<1x128x128xf32, #tpu.memory_space<hbm>> -> memref<128x128xf32, #tpu.memory_space<hbm>>
    tpu.wait_dma2 semaphore(%arg19 : memref<!tpu.dma_semaphore, #tpu.memory_space<semaphore_mem>>) src(%arg9 : memref<128x128xf32, #tpu.memory_space<vmem>>) dst(%dma_wait3A_34 : memref<128x128xf32, #tpu.memory_space<hbm>>)
    %dma_wait3A_35 = arith.constant 49 : i32
    %dma_wait3A_36 = arith.constant 0 : i32
    %dma_wait3A_37 = tpu.memref_slice %arg4[%dma_wait3A_35, %mul3A_2, %dma_wait3A_36] : memref<50x4096x128xf32, #tpu.memory_space<hbm>> -> memref<1x128x128xf32, #tpu.memory_space<hbm>>
    %dma_wait3A_38 = tpu.memref_squeeze %dma_wait3A_37 : memref<1x128x128xf32, #tpu.memory_space<hbm>> -> memref<128x128xf32, #tpu.memory_space<hbm>>
    %dma_wait3A_39 = arith.constant 0 : i32
    %dma_wait3A_40 = tpu.memref_slice %arg4[%dma_wait3A_35, %mul3A_2, %dma_wait3A_39] : memref<50x4096x128xf32, #tpu.memory_space<hbm>> -> memref<1x128x128xf32, #tpu.memory_space<hbm>>
    %dma_wait3A_41 = tpu.memref_squeeze %dma_wait3A_40 : memref<1x128x128xf32, #tpu.memory_space<hbm>> -> memref<128x128xf32, #tpu.memory_space<hbm>>
    tpu.wait_dma2 semaphore(%arg20 : memref<!tpu.dma_semaphore, #tpu.memory_space<semaphore_mem>>) src(%arg10 : memref<128x128xf32, #tpu.memory_space<vmem>>) dst(%dma_wait3A_41 : memref<128x128xf32, #tpu.memory_space<hbm>>)
    return
  }
}

</mosaic_0001>

<sc_bundles>
// kernel: kernel.3.cloned.1.call-start
scs
__scs_entry_jumppad:
0x0: {  	(pc) =	sbr.rel $0x88, $3  }
0x1: {  	(tag) =	ssettag $0x0;
	lr =	simm.s32 $0x1  }
0x2: {  	[smem:$0x3F9F] =	sst lr;
	_ =	strace $0xD0000000  }
0x3: {  	_ = 	snop  }
0x4: {  	_ = 	snop  }
0x5: {  	_ = 	snop  }
0x6: {  	_ = 	snop  }
0x7: {  	_ = 	snop  }
__scs_overlays_trampoline_lowered:
0x8: {  	[smem:$0x3FAE] =	sst s0  }
0x9: {  	[smem:$0x3FAF] =	sst s1  }
0xa: {  	[smem:$0x3FB0] =	sst s2  }
0xb: {  	[smem:$0x3FB1] =	sst s3  }
0xc: {  	[smem:$0x3FB2] =	sst s4  }
0xd: {  	[smem:$0x3FB3] =	sst s5  }
0xe: {  	[smem:$0x3FB4] =	sst s6  }
0xf: {  	[smem:$0x3FB5] =	sst s7  }
0x10: {  	[smem:$0x3FB6] =	sst s8  }
0x11: {  	[smem:$0x3FB7] =	sst s9;
	s0 =	simm.s32 @!p0 $0x0  }
0x12: {  	s1 =	sld [smem:$0x3F9D];
	s0 =	simm.s32 @p0 $0x1  }
0x13: {  	[smem:$0x3FB8] =	sst s0;
	s0 =	simm.s32 @!p1 $0x0  }
0x14: {  	s2 =	sld [smem:$0x3F9C];
	s0 =	simm.s32 @p1 $0x1  }
0x15: {  	[smem:$0x3FB9] =	sst s0;
	s0 =	simm.s32 @!p2 $0x0  }
0x16: {  	s3 =	sld [smem:$0x3FDB];
	s0 =	simm.s32 @p2 $0x1  }
0x17: {  	s4 =	simm.s32 $0x1BF5;
	[smem:$0x3FBB] =	sst s0  }
0x18: {  	s0 =	sld [smem:$0x3F9E];
	_ =	swait.ge [sflag:s4], $0x0  }
0x19: {  	s7 =	sld [smem:$0x3F9F]  }
0x1a: {  	s8 =	sadd.s32 $0xFFFFE003, lr  }
0x1b: {  	s9 =	sadd.s32 $0xFFFFFEF7, lr;
	s5 =	simm.s32 $0xFFFFFFFF;
	p2 =	slt.u32 s8, $0xFFFFF086  }
0x1c: {  	p1 =	slt.u32 s9, $0xF7A;
	s5 =	simm.s32 @!p2 $0x0  }
0x1d: {  	s5 =	simm.s32 @p1 $0x1;
	p0 =	seq.s32 s7, s2  }
0x1e: {  	s7 =	smul.u32 @!p0 $0xF7A, s2;
	p2 =	seq.s32 @!p0 s5, $0x0  }
0x1f: {  	s9 =	smul.u32 $0xF7A, s1;
	s8 =	simm.s32 @!p0 $0x1BF5;
	p2 =	por !p2, p0  }
0x20: {  	[sflag:s8] =	ssyncset.s32 @!p0 $0xFFFFF086;
	s6 =	sadd.s32 @!p0 s3, s7;
	s7 =	simm.s32 @!p0 $0x108  }
0x21: {  	s3 =	sadd.s32 s3, s9;
	s6 =	sadd.s32 @!p0 $0x88, s6;
	s7 =	simm.s32 @p2 $0x1082  }
0x22: {  	[simem:s7], [sflag:s8] =	dma.local @!p0 [hbm:s6], $0xF7A  }
0x23: {  	s9 =	sor.u32 $0xD0000000, s2;
	s6 =	simm.s32 $0x108;
	_ =	swait.ge @!p0 [sflag:s8], $0x0  }
0x24: {  	s3 =	sadd.s32 $0x88, s3;
	s6 =	simm.s32 @!p1 $0x1082;
	[sflag:s4] =	ssyncset.s32 $0xFFFFF086  }
0x25: {  	[simem:s6], [sflag:s4] =	dma.local [hbm:s3], $0xF7A  }
0x26: {  	[smem:$0x3F9F] =	sst s1;
	(tag) =	ssettag s2;
	_ =	strace s9  }
0x27: {  	s1 =	sld [smem:$0x3FAF]  }
0x28: {  	s2 =	sld [smem:$0x3FB0]  }
0x29: {  	s4 =	sld [smem:$0x3FB2]  }
0x2a: {  	p0 =	seq.s32 s5, $0x0;
	s5 =	sld [smem:$0x3FB3]  }
0x2b: {  	s6 =	sld [smem:$0x3FB4]  }
0x2c: {  	s7 =	sld [smem:$0x3FB5]  }
0x2d: {  	s3 =	simm.s32 $0x108;
	s8 =	sld [smem:$0x3FB6]  }
0x2e: {  	s3 =	simm.s32 @!p0 $0x1082;
	s9 =	sld [smem:$0x3FB7]  }
0x2f: {  	lr =	sadd.s32 s0, s3;
	s0 =	sld [smem:$0x3FAE]  }
0x30: {  	s3 =	sld [smem:$0x3FB1]  }
0x31: {  	[smem:$0x3FBA] =	sst s10  }
0x32: {  	s10 =	sld [smem:$0x3FB8];
	_ =	sdelay $0x3  }
0x33: {  	p0 =	seq.s32 s10, $0x1;
	s10 =	sld [smem:$0x3FBA];
	_ =	sdelay $0x3  }
0x34: {  	[smem:$0x3FBA] =	sst s10  }
0x35: {  	s10 =	sld [smem:$0x3FB9];
	_ =	sdelay $0x3  }
0x36: {  	p1 =	seq.s32 s10, $0x1;
	s10 =	sld [smem:$0x3FBA];
	_ =	sdelay $0x3  }
0x37: {  	[smem:$0x3FBA] =	sst s10  }
0x38: {  	s10 =	sld [smem:$0x3FBB]  }
0x39: {  	_ = 	snop;
	(pc) =	sbr.ind lr, $3  }
0x3a: {  	_ = 	snop  }
0x3b: {  	_ = 	snop  }
0x3c: {  	p2 =	seq.s32 s10, $0x1;
	s10 =	sld [smem:$0x3FBA]  }
0x3d: {  	_ =	shalt  }
0x3e: {  	_ =	shalt  }
0x3f: {  	_ =	shalt  }
0x40: {  	_ =	shalt  }
0x41: {  	_ =	shalt  }
0x42: {  	_ =	shalt  }
0x43: {  	_ =	shalt  }
0x44: {  	_ =	shalt  }
0x45: {  	_ =	shalt  }
0x46: {  	_ =	shalt  }
0x47: {  	_ =	shalt  }
0x48: {  	_ =	shalt  }
0x49: {  	_ =	shalt  }
0x4a: {  	_ =	shalt  }
0x4b: {  	_ =	shalt  }
0x4c: {  	_ =	shalt  }
0x4d: {  	_ =	shalt  }
0x4e: {  	_ =	shalt  }
0x4f: {  	_ =	shalt  }
0x50: {  	_ =	shalt  }
0x51: {  	_ =	shalt  }
0x52: {  	_ =	shalt  }
0x53: {  	_ =	shalt  }
0x54: {  	_ =	shalt  }
0x55: {  	_ =	shalt  }
0x56: {  	_ =	shalt  }
0x57: {  	_ =	shalt  }
0x58: {  	_ =	shalt  }
0x59: {  	_ =	shalt  }
0x5a: {  	_ =	shalt  }
0x5b: {  	_ =	shalt  }
0x5c: {  	_ =	shalt  }
0x5d: {  	_ =	shalt  }
0x5e: {  	_ =	shalt  }
0x5f: {  	_ =	shalt  }
0x60: {  	_ =	shalt  }
0x61: {  	_ =	shalt  }
0x62: {  	_ =	shalt  }
0x63: {  	_ =	shalt  }
0x64: {  	_ =	shalt  }
0x65: {  	_ =	shalt  }
0x66: {  	_ =	shalt  }
0x67: {  	_ =	shalt  }
0x68: {  	_ =	shalt  }
0x69: {  	_ =	shalt  }
0x6a: {  	_ =	shalt  }
0x6b: {  	_ =	shalt  }
0x6c: {  	_ =	shalt  }
0x6d: {  	_ =	shalt  }
0x6e: {  	_ =	shalt  }
0x6f: {  	_ =	shalt  }
0x70: {  	_ =	shalt  }
0x71: {  	_ =	shalt  }
0x72: {  	_ =	shalt  }
0x73: {  	_ =	shalt  }
0x74: {  	_ =	shalt  }
0x75: {  	_ =	shalt  }
0x76: {  	_ =	shalt  }
0x77: {  	_ =	shalt  }
0x78: {  	_ =	shalt  }
0x79: {  	_ =	shalt  }
0x7a: {  	_ =	shalt  }
0x7b: {  	_ =	shalt  }
0x7c: {  	_ =	shalt  }
0x7d: {  	_ =	shalt  }
0x7e: {  	_ =	shalt  }
0x7f: {  	_ =	shalt  }
0x80: {  	_ =	shalt  }
0x81: {  	_ =	shalt  }
0x82: {  	_ =	shalt  }
0x83: {  	_ =	shalt  }
0x84: {  	_ =	shalt  }
0x85: {  	_ =	shalt  }
0x86: {  	_ =	shalt  }
0x87: {  	_ =	shalt  }
.Lfunc_end0:
.L_simem_size_0:
called_computation_lowered:
.L_overlay_start_0:
0x88: {  	s2 =	sld [smem:$0x3FD9]  }
0x89: {  	s3 =	sld [smem:$0x3FFE];
	_ =	sdelay $0x1  }
0x8a: {  	s1 =	srdreg.scid  }
0x8b: {  	s0 =	sand.u32 $0x1, s1  }
0x8c: {  	s18 =	sshll.u32 s0, $0xA;
	s2 =	sadd.s32 s3, s2  }
0x8d: {  	s2 =	sadd.s32 s2, s18  }
0x8e: {  	[smem:$0x3FC6] =	sst s2  }
0x8f: {  	_ = 	snop  }
0x90: {  	s2 =	sld [smem:$0x3FC9]  }
0x91: {  	s19 =	sld [smem:$0x3FC8]  }
0x92: {  	s4 =	sld [smem:$0x3FD0];
	(tm) =	ssettm $0x1  }
0x93: {  	s5 =	sld [smem:$0x3FFB];
	_ =	sdelay $0x3  }
0x94: {  	_ =	strace s5  }
0x95: {  	s5 =	sld [smem:$0x3FFC];
	_ =	sdelay $0x3  }
0x96: {  	_ =	strace s5  }
0x97: {  	s5 =	sld [smem:$0x3FFD];
	_ =	sdelay $0x3  }
0x98: {  	_ =	strace s5  }
0x99: {  	_ =	strace $0x8FFFFFFF  }
0x9a: {  	s20 =	sld [smem:$0x3FDB];
	_ =	sdelay $0x1  }
0x9b: {  	s6 =	simm.s32 $_scs_section_size  }
0x9c: {  	s7 =	simm.s32 $_size__tile_overlayer_lowered;
	s8 =	simm.s32 $_tile_overlayer_lowered  }
0x9d: {  	s23 =	simm.s32 $0x1BFF;
	s22 =	sshll.u32 s8, $0x1;
	s5 =	sadd.s32 s6, s20  }
0x9e: {  	s9 =	simm.s32 $0x0;
	s21 =	sshll.u32 s7, $0x1;
	s7 =	sadd.s32 s22, s5  }
0x9f: {  	[timem:s9], [sflag:s23] =	dma.local [hbm:s7], s21  }
0xa0: {  	_ =	swait.ge [sflag:s23], s21  }
0xa1: {  	s6 =	ssub.s32 $0x0, s21;
	[sflag:s23] =	ssyncset.done $0x0  }
0xa2: {  	[sflag:s23] =	ssyncadd.s32 s6;
	_ =	sdelay $0x1  }
0xa3: {  	s24 =	simm.s32 $0x1B8B  }
0xa4: {  	_ =	swait.ge [sflag:s24], $0x1  }
0xa5: {  	[sflag:s24] =	ssyncset.done $0x0  }
0xa6: {  	s25 =	simm.s32 $0x1B8E;
	[sflag:s24] =	ssyncadd.s32 $0xFFFFFFFF  }
0xa7: {  	s26 =	simm.s32 $execute0_lowered;
	[smem:$0x3FD2] =	sst s25  }
0xa8: {  	s6 =	sshll.u32 s26, $0x1;
	_ =	strace $0x80000046;
	[dreg:$0x1] =	wrdreg $0xFFFFFFFF  }
0xa9: {  	s28 =	simm.s32 $_size_execute0_lowered;
	s5 =	sadd.s32 s5, s6;
	[dreg:$0x0] =	wrdreg $0x0  }
0xaa: {  	s6 =	sshll.u32 s28, $0x1;
	[dreg:$0x2] =	wrdreg s5  }
0xab: {  	[dreg:$0x3] =	wrdreg s6  }
0xac: {  	[dreg:$0x4] =	wrdreg $0xC0  }
0xad: {  	_ =	task [dreg:s9], $0x5FFFF  }
0xae: {  	[dreg:$0x1] =	wrdreg $0xFFFFFFFF  }
0xaf: {  	[dreg:$0x0] =	wrdreg $0x60  }
0xb0: {  	[dreg:$0x2] =	wrdreg s19  }
0xb1: {  	[dreg:$0x3] =	wrdreg s2  }
0xb2: {  	[dreg:$0x4] =	wrdreg s4  }
0xb3: {  	[dreg:$0x5] =	wrdreg $0x9  }
0xb4: {  	_ =	task.clear_ibuf [dreg:s9], $0x6FFFF;
	_ =	strace $0x90000046  }
0xb5: {  	s29 =	simm.s32 $0x9;
	_ =	strace $0x80000048  }
0xb6: {  	_ =	swait.ge [sflag:s29], $0x1  }
0xb7: {  	[sflag:s29] =	ssyncadd.s32 $0xFFFFFFFF  }
0xb8: {  	_ =	strace $0x90000048  }
0xb9: {  	_ =	sfence  }
0xba: {  	s30 =	sld [smem:$0x0];
	_ =	sdelay $0x2  }
0xbb: {  	s31 =	sshll.u32 s1, $0xD;
	s1 =	sshrl.u32 s1, $0x2  }
0xbc: {  	s3 =	sand.u32 $0x4000, s31;
	s1 =	sadd.s32 s1, s30  }
0xbd: {  	s0 =	sor.u32 s3, s0;
	s1 =	sshll.u32 s1, $0x11  }
0xbe: {  	s0 =	sor.u32 s1, s0  }
0xbf: {  	s0 =	sadd.s32 $0x8F2B, s0  }
0xc0: {  	[sflag:s0] =	ssyncadd.remote.s32 $0x1  }
0xc1: {  	_ =	sfence.sel $0xFFFF  }
0xc2: {  	[dreg:$0x0] =	wrdreg $0xFFFFFFFF;
	(pc) =	sbr.abs _section_cstart, $3  }
0xc3: {  	[dreg:$0x1] =	wrdreg $0xFFFFFFFF  }
0xc4: {  	_ =	task.clear_ibuf [dreg:s9], $0x2FFFF;
	_ =	strace $0x9FFFFFFF  }
0xc5: {  	(tm) =	ssettm $0x7FFFFFFF  }
tec
execute0_lowered:
.L_overlay_start_1:
0x0: {  	(tag) =	ssettag $0x1  }
0x1: {  	s1 =	rddreg [dreg:$0x0]  }
0x2: {  	s0 =	rddreg [dreg:$0x1]  }
0x3: {  	s2 =	rddreg [dreg:$0x2];
	s4 =	simm.s32 $0x0  }
0x4: {  	s3 =	srdreg.scid;
	s9 =	stileid.u32;
	s26 =	simm.s32 $0x80  }
0x5: {  	s15 =	simm.s32 $0x11C00;
	s28 =	simm.s32 $0x1C00;
	s16 =	simm.s32 $0x1  }
0x6: {  	s29 =	simm.s32 $0x5C00;
	s17 =	simm.s32 $0x2;
	s30 =	simm.s32 $0x9C00  }
0x7: {  	s18 =	simm.s32 $0x3;
	s31 =	simm.s32 $0xDC00;
	s19 =	simm.s32 $0x4  }
0x8: {  	s20 =	simm.s32 $0x5;
	s21 =	simm.s32 $0x6;
	[smem:$0x7FF] =	sst s4  }
0x9: {  	s22 =	simm.s32 $0x7;
	_ =	strace $0x80000047;
	[dreg:$0x4] =	wrdreg s26  }
0xa: {  	s23 =	simm.s32 $0x8;
	s3 =	sand.u32 $0x1, s3;
	[dreg:$0x5] =	wrdreg s28  }
0xb: {  	s5 =	sshll.u32 s9, $0x8;
	s24 =	sshll.u32 s9, $0xF;
	[dreg:$0x6] =	wrdreg s29  }
0xc: {  	s6 =	ssub.s32 $0x2, s3;
	s7 =	sshll.u32 s3, $0x7;
	[dreg:$0x7] =	wrdreg s30  }
0xd: {  	s3 =	sshll.u32 s3, $0xE;
	[dreg:$0x8] =	wrdreg s31;
	s7 =	sor.u32 s7, s5  }
0xe: {  	s26 =	simm.s32 $0x0;
	s8 =	sshrl.u32 s6, $0x1;
	s5 =	sadd.s32 s0, s7  }
0xf: {  	s8 =	ssub.s32 s6, s8;
	s0 =	sor.u32 s3, s24;
	s7 =	sshll.u32 s7, $0x7  }
0x10: {  	[dreg:$0x9] =	wrdreg s5;
	s5 =	sadd.s32 $0x6000, s5;
	s3 =	sshrl.u32 s0, $0x3  }
0x11: {  	s0 =	sor.u32 $0x200000, s0;
	s25 =	smax.u32 s8, $0x1;
	[dreg:$0xa] =	wrdreg s5  }
0x12: {  	s24 =	simm.s32 $0x9;
	[dreg:$0xb] =	wrdreg s25;
	s0 =	sshrl.u32 s0, $0x3  }
0x13: {  	s9 =	sadd.s32 s3, s2;
	s25 =	simm.s32 $0xA;
	s3 =	sadd.s32 s0, s2  }
.LBB2_1:
0x14: {  	s0 =	rddreg [dreg:$0x9];
	s5 =	simm.s32 $0x400;
	s6 =	simm.s32 $0x8000  }
0x15: {  	[tilespmem:s4], [sflag:$0xB] =	stream.strided.gather [hbm4b:s0+s5], $0x1800, s6, s5, $0x38;
	[tilespmem:$0x15C00] =	vst v63  }
0x16: {  	s11 =	rddreg [dreg:$0xa];
	s12 =	simm.s32 $0x1800;
	s13 =	simm.s32 $0xB  }
0x17: {  	[tilespmem:s12], [sflag:$0xB] =	stream.linear.gather [hbm4b:s11+s4], $0x100, $0x38;
	[tilespmem:$0x15C00] =	vst v63  }
0x18: {  	_ =	swait.ge [sflag:s13], $0x1900  }
0x19: {  	p0 =	por $0x0, $0x0;
	[sflag:s13] =	ssyncset.done $0x0  }
0x1a: {  	s0 =	simm.s32 @p0 $0x6;
	[sflag:s13] =	ssyncadd.s32 $0xFFFFE700  }
0x1b: {  	_ =	swait.ge @p0 [sflag:s0], $0x4000  }
0x1c: {  	s10 =	simm.s32 @p0 $0x1C00;
	s28 =	simm.s32 @p0 $0x80;
	[sflag:s0] =	ssyncset.done @p0 $0x0  }
0x1d: {  	s11 =	simm.s32 @p0 $0x7;
	[sflag:s0] =	ssyncadd.s32 @p0 $0xFFFFC000;
	s0 =	simm.s32 @p0 $0x0  }
0x1e: {  	[tilespmem:s10], [sflag:$0x1] =	stream.indirect.gather @p0 [hbm4b:s1+s28], $0x80, s0, s28, $0xb8;
	[tilespmem:$0x15C00] =	vst v63  }
0x1f: {  	_ =	swait.ge @p0 [sflag:s11], $0x4000  }
0x20: {  	s0 =	simm.s32 @p0 $0x80;
	[sflag:s11] =	ssyncset.done @p0 $0x0  }
0x21: {  	s10 =	simm.s32 @p0 $0x5C00;
	[sflag:s11] =	ssyncadd.s32 @p0 $0xFFFFC000;
	s11 =	simm.s32 @p0 $0x8  }
0x22: {  	[tilespmem:s10], [sflag:$0x2] =	stream.indirect.gather @p0 [hbm4b:s1+s28], $0x80, s0, s28, $0xb8;
	[tilespmem:$0x15C00] =	vst v63  }
0x23: {  	_ =	swait.ge @p0 [sflag:s11], $0x4000  }
0x24: {  	s0 =	simm.s32 @p0 $0x100;
	[sflag:s11] =	ssyncset.done @p0 $0x0  }
0x25: {  	s10 =	simm.s32 @p0 $0x9C00;
	[sflag:s11] =	ssyncadd.s32 @p0 $0xFFFFC000;
	s11 =	simm.s32 @p0 $0x9  }
0x26: {  	[tilespmem:s10], [sflag:$0x3] =	stream.indirect.gather @p0 [hbm4b:s1+s28], $0x80, s0, s28, $0xb8;
	[tilespmem:$0x15C00] =	vst v63  }
0x27: {  	_ =	swait.ge @p0 [sflag:s11], $0x4000  }
0x28: {  	s0 =	simm.s32 @p0 $0x180;
	[sflag:s11] =	ssyncset.done @p0 $0x0  }
0x29: {  	s10 =	simm.s32 @p0 $0xDC00;
	[sflag:s11] =	ssyncadd.s32 @p0 $0xFFFFC000;
	s11 =	simm.s32 @p0 $0xA  }
0x2a: {  	[tilespmem:s10], [sflag:$0x4] =	stream.indirect.gather @p0 [hbm4b:s1+s28], $0x80, s0, s28, $0xb8;
	[tilespmem:$0x15C00] =	vst v63  }
0x2b: {  	_ =	swait.ge @p0 [sflag:s11], $0x4000  }
0x2c: {  	s0 =	simm.s32 @!p0 $0x1C00;
	[sflag:s11] =	ssyncset.done @p0 $0x0  }
0x2d: {  	s10 =	simm.s32 @!p0 $0x80;
	[sflag:s11] =	ssyncadd.s32 @p0 $0xFFFFC000;
	s11 =	simm.s32 @!p0 $0x0  }
0x2e: {  	[tilespmem:s0], [sflag:$0x1] =	stream.indirect.gather @!p0 [hbm4b:s1+s10], $0x80, s11, s10, $0xb8;
	[tilespmem:$0x15C00] =	vst v63  }
0x2f: {  	s0 =	simm.s32 @!p0 $0x5C00  }
0x30: {  	[tilespmem:s0], [sflag:$0x2] =	stream.indirect.gather @!p0 [hbm4b:s1+s10], $0x80, s10, s10, $0xb8;
	[tilespmem:$0x15C00] =	vst v63  }
0x31: {  	s11 =	simm.s32 @!p0 $0x9C00;
	s0 =	simm.s32 @!p0 $0x100  }
0x32: {  	[tilespmem:s11], [sflag:$0x3] =	stream.indirect.gather @!p0 [hbm4b:s1+s10], $0x80, s0, s10, $0xb8;
	[tilespmem:$0x15C00] =	vst v63  }
0x33: {  	s0 =	simm.s32 @!p0 $0x180;
	s11 =	simm.s32 @!p0 $0xDC00  }
0x34: {  	[tilespmem:s11], [sflag:$0x4] =	stream.indirect.gather @!p0 [hbm4b:s1+s10], $0x80, s0, s10, $0xb8;
	[tilespmem:$0x15C00] =	vst v63  }
0x35: {  	s14 =	simm.s32 $0x200;
	s28 =	rddreg [dreg:$0x4]  }
0x36: {  	[tilespmem:s15], [sflag:$0x5] =	stream.indirect.gather [hbm4b:s1+s28], $0x80, s14, s28, $0xb8;
	[tilespmem:$0x15C00] =	vst v63  }
0x37: {  	_ =	swait.ge [sflag:s16], $0x4000  }
0x38: {  	s10 =	simm.s32 @p0 $0x80000;
	s11 =	simm.s32 @p0 $0x100000;
	[sflag:s16] =	ssyncset.done $0x0  }
0x39: {  	s10 =	simm.s32 @!p0 $0x80000;
	s5 =	rddreg [dreg:$0x5];
	[sflag:s16] =	ssyncadd.s32 $0xFFFFC000  }
0x3a: {  	[hbm4b:s9+s4] =	stream.linear.scatter [tilespmem:s5], [sflag:$0x6], $0x4000, $0x38;
	[tilespmem:$0x15C00] =	vst v63  }
0x3b: {  	s11 =	simm.s32 @!p0 $0x100000;
	s6 =	sor.u32 s7, s10;
	_ =	swait.ge [sflag:s17], $0x4000  }
0x3c: {  	s11 =	sor.u32 s7, s11;
	s0 =	sshrl.u32 s6, $0x3;
	[sflag:s17] =	ssyncset.done $0x0  }
0x3d: {  	s0 =	sadd.s32 s2, s0;
	s8 =	rddreg [dreg:$0x6];
	[sflag:s17] =	ssyncadd.s32 $0xFFFFC000  }
0x3e: {  	[hbm4b:s0+s4] =	stream.linear.scatter [tilespmem:s8], [sflag:$0x7], $0x4000, $0x38;
	[tilespmem:$0x15C00] =	vst v63  }
0x3f: {  	s31 =	simm.s32 $0xA00;
	s0 =	sshrl.u32 s11, $0x3;
	_ =	swait.ge [sflag:s18], $0x4000  }
0x40: {  	s11 =	simm.s32 $0x180000;
	s0 =	sadd.s32 s2, s0;
	[sflag:s18] =	ssyncset.done $0x0  }
0x41: {  	s11 =	simm.s32 @!p0 $0x180000;
	s12 =	rddreg [dreg:$0x7];
	[sflag:s18] =	ssyncadd.s32 $0xFFFFC000  }
0x42: {  	[hbm4b:s0+s4] =	stream.linear.scatter [tilespmem:s12], [sflag:$0x8], $0x4000, $0x38;
	[tilespmem:$0x15C00] =	vst v63  }
0x43: {  	s29 =	simm.s32 $0x400000;
	s13 =	sor.u32 s7, s11;
	_ =	swait.ge [sflag:s19], $0x4000  }
0x44: {  	s30 =	sadd.s32 $0x50000, s9;
	s11 =	sshrl.u32 s13, $0x3;
	[sflag:s19] =	ssyncset.done $0x0  }
0x45: {  	s11 =	sadd.s32 s2, s11;
	s14 =	rddreg [dreg:$0x8];
	[sflag:s19] =	ssyncadd.s32 $0xFFFFC000  }
0x46: {  	[hbm4b:s11+s4] =	stream.linear.scatter [tilespmem:s14], [sflag:$0x9], $0x4000, $0x38;
	[tilespmem:$0x15C00] =	vst v63  }
0x47: {  	s28 =	sadd.s32 $0x50000, s3;
	s10 =	smov.u32 s3;
	_ =	swait.ge [sflag:s20], $0x4000  }
0x48: {  	p0 =	por $0x1, $0x1;
	s0 =	simm.s32 $0x1400;
	[sflag:s20] =	ssyncset.done $0x0  }
.LBB2_2:
0x49: {  	s12 =	simm.s32 @p0 $0x6;
	[sflag:s20] =	ssyncadd.s32 $0xFFFFC000  }
0x4a: {  	[hbm4b:s10+s4] =	stream.linear.scatter [tilespmem:s15], [sflag:$0xA], $0x4000, $0x38;
	[tilespmem:$0x15C00] =	vst v63  }
0x4b: {  	_ =	swait.ge @p0 [sflag:s12], $0x4000  }
0x4c: {  	s13 =	simm.s32 @p0 $0x1C00;
	s6 =	simm.s32 @p0 $0x7;
	[sflag:s12] =	ssyncset.done @p0 $0x0  }
0x4d: {  	s8 =	simm.s32 @p0 $0x80;
	[sflag:s12] =	ssyncadd.s32 @p0 $0xFFFFC000;
	s12 =	sshra.s32 @p0 s31, $0x2  }
0x4e: {  	[tilespmem:s13], [sflag:$0x1] =	stream.indirect.gather @p0 [hbm4b:s1+s8], $0x80, s12, s8, $0xb8;
	[tilespmem:$0x15C00] =	vst v63  }
0x4f: {  	_ =	swait.ge @p0 [sflag:s6], $0x4000  }
0x50: {  	s14 =	simm.s32 @p0 $0x8;
	[sflag:s6] =	ssyncset.done @p0 $0x0  }
0x51: {  	s13 =	sadd.s32 @p0 $0x80, s12;
	[sflag:s6] =	ssyncadd.s32 @p0 $0xFFFFC000;
	s6 =	simm.s32 @p0 $0x5C00  }
0x52: {  	[tilespmem:s6], [sflag:$0x2] =	stream.indirect.gather @p0 [hbm4b:s1+s8], $0x80, s13, s8, $0xb8;
	[tilespmem:$0x15C00] =	vst v63  }
0x53: {  	_ =	swait.ge @p0 [sflag:s14], $0x4000  }
0x54: {  	s5 =	sadd.s32 @p0 $0x100, s12;
	[sflag:s14] =	ssyncset.done @p0 $0x0  }
0x55: {  	s6 =	simm.s32 @p0 $0x9C00;
	s13 =	simm.s32 @p0 $0x9;
	[sflag:s14] =	ssyncadd.s32 @p0 $0xFFFFC000  }
0x56: {  	[tilespmem:s6], [sflag:$0x3] =	stream.indirect.gather @p0 [hbm4b:s1+s8], $0x80, s5, s8, $0xb8;
	[tilespmem:$0x15C00] =	vst v63  }
0x57: {  	_ =	swait.ge @p0 [sflag:s13], $0x4000  }
0x58: {  	s12 =	sadd.s32 @p0 $0x180, s12;
	[sflag:s13] =	ssyncset.done @p0 $0x0  }
0x59: {  	s5 =	simm.s32 @p0 $0xDC00;
	s6 =	simm.s32 @p0 $0xA;
	[sflag:s13] =	ssyncadd.s32 @p0 $0xFFFFC000  }
0x5a: {  	[tilespmem:s5], [sflag:$0x4] =	stream.indirect.gather @p0 [hbm4b:s1+s8], $0x80, s12, s8, $0xb8;
	[tilespmem:$0x15C00] =	vst v63  }
0x5b: {  	_ =	swait.ge @p0 [sflag:s6], $0x4000  }
0x5c: {  	s5 =	simm.s32 @!p0 $0x1C00;
	[sflag:s6] =	ssyncset.done @p0 $0x0  }
0x5d: {  	s8 =	simm.s32 @!p0 $0x0;
	[sflag:s6] =	ssyncadd.s32 @p0 $0xFFFFC000;
	s6 =	simm.s32 @!p0 $0x80  }
0x5e: {  	[tilespmem:s5], [sflag:$0x1] =	stream.indirect.gather @!p0 [hbm4b:s1+s6], $0x80, s8, s6, $0xb8;
	[tilespmem:$0x15C00] =	vst v63  }
0x5f: {  	s5 =	simm.s32 @!p0 $0x5C00  }
0x60: {  	[tilespmem:s5], [sflag:$0x2] =	stream.indirect.gather @!p0 [hbm4b:s1+s6], $0x80, s6, s6, $0xb8;
	[tilespmem:$0x15C00] =	vst v63  }
0x61: {  	s8 =	simm.s32 @!p0 $0x9C00;
	s5 =	simm.s32 @!p0 $0x100  }
0x62: {  	[tilespmem:s8], [sflag:$0x3] =	stream.indirect.gather @!p0 [hbm4b:s1+s6], $0x80, s5, s6, $0xb8;
	[tilespmem:$0x15C00] =	vst v63  }
0x63: {  	s13 =	sshra.s32 s31, $0x2;
	s5 =	simm.s32 @!p0 $0x180;
	s8 =	simm.s32 @!p0 $0xDC00  }
0x64: {  	[tilespmem:s8], [sflag:$0x4] =	stream.indirect.gather @!p0 [hbm4b:s1+s6], $0x80, s5, s6, $0xb8;
	[tilespmem:$0x15C00] =	vst v63  }
0x65: {  	s12 =	sadd.s32 $0x200, s13;
	s14 =	rddreg [dreg:$0x4]  }
0x66: {  	[tilespmem:s15], [sflag:$0x5] =	stream.indirect.gather [hbm4b:s1+s14], $0x80, s12, s14, $0xb8;
	[tilespmem:$0x15C00] =	vst v63  }
0x67: {  	s6 =	sadd.s32 @p0 $0xFFF00000, s29;
	_ =	swait.ge [sflag:s16], $0x4000  }
0x68: {  	s11 =	smov.u32 s0;
	s6 =	simm.s32 @!p0 $0x80000;
	[sflag:s16] =	ssyncset.done $0x0  }
0x69: {  	s8 =	sor.u32 s7, s6;
	s14 =	rddreg [dreg:$0x5];
	[sflag:s16] =	ssyncadd.s32 $0xFFFFC000  }
0x6a: {  	[hbm4b:s30+s4] =	stream.linear.scatter [tilespmem:s14], [sflag:$0x6], $0x4000, $0x38;
	[tilespmem:$0x15C00] =	vst v63  }
0x6b: {  	s31 =	smov.u32 s11;
	s5 =	sshrl.u32 s8, $0x3;
	_ =	swait.ge [sflag:s17], $0x4000  }
0x6c: {  	s8 =	sadd.s32 @p0 $0xFFF80000, s29;
	s5 =	sadd.s32 s2, s5;
	[sflag:s17] =	ssyncset.done $0x0  }
0x6d: {  	s8 =	simm.s32 @!p0 $0x100000;
	s11 =	rddreg [dreg:$0x6];
	[sflag:s17] =	ssyncadd.s32 $0xFFFFC000  }
0x6e: {  	[hbm4b:s5+s4] =	stream.linear.scatter [tilespmem:s11], [sflag:$0x7], $0x4000, $0x38;
	[tilespmem:$0x15C00] =	vst v63  }
0x6f: {  	s12 =	sor.u32 s7, s8;
	_ =	swait.ge [sflag:s18], $0x4000  }
0x70: {  	s5 =	sshrl.u32 s12, $0x3;
	[sflag:s18] =	ssyncset.done $0x0  }
0x71: {  	s5 =	sadd.s32 s2, s5;
	s13 =	rddreg [dreg:$0x7];
	[sflag:s18] =	ssyncadd.s32 $0xFFFFC000  }
0x72: {  	[hbm4b:s5+s4] =	stream.linear.scatter [tilespmem:s13], [sflag:$0x8], $0x4000, $0x38;
	[tilespmem:$0x15C00] =	vst v63  }
0x73: {  	s0 =	sadd.s32 $0xA00, s0;
	s5 =	smov.u32 s29  }
0x74: {  	p1 =	sne.s32 s0, $0x6400;
	s5 =	simm.s32 @!p0 $0x180000  }
0x75: {  	s10 =	smov.u32 s28;
	_ =	swait.ge [sflag:s19], $0x4000;
	s5 =	sor.u32 s7, s5  }
.Ltmp0:
0x76: {  	[sflag:s19] =	ssyncset.done $0x0;
	s5 =	sshrl.u32 s5, $0x3;
	(pc) =	sbr.rel @p1 .LBB2_2-.Ltmp0, $4  }
0x77: {  	s14 =	rddreg [dreg:$0x8];
	[sflag:s19] =	ssyncadd.s32 $0xFFFFC000;
	s5 =	sadd.s32 s2, s5  }
0x78: {  	[hbm4b:s5+s4] =	stream.linear.scatter [tilespmem:s14], [sflag:$0x9], $0x4000, $0x38;
	[tilespmem:$0x15C00] =	vst v63  }
0x79: {  	s28 =	sadd.s32 $0x50000, s28;
	s30 =	sadd.s32 $0x50000, s30;
	_ =	swait.ge [sflag:s20], $0x4000  }
0x7a: {  	s29 =	sadd.s32 $0x280000, s29;
	p0 =	sne.s32 s31, $0x0;
	[sflag:s20] =	ssyncset.done $0x0  }
0x7b: {  	s0 =	simm.s32 @p0 $0x6;
	[sflag:s20] =	ssyncadd.s32 $0xFFFFC000  }
0x7c: {  	[hbm4b:s10+s4] =	stream.linear.scatter [tilespmem:s15], [sflag:$0xA], $0x4000, $0x38;
	[tilespmem:$0x15C00] =	vst v63  }
0x7d: {  	_ =	swait.ge @p0 [sflag:s0], $0x4000  }
0x7e: {  	s5 =	simm.s32 @p0 $0x1C00;
	s6 =	simm.s32 @p0 $0x7;
	[sflag:s0] =	ssyncset.done @p0 $0x0  }
0x7f: {  	s8 =	simm.s32 @p0 $0x80;
	[sflag:s0] =	ssyncadd.s32 @p0 $0xFFFFC000;
	s0 =	sshra.s32 @p0 s31, $0x2  }
0x80: {  	[tilespmem:s5], [sflag:$0x1] =	stream.indirect.gather @p0 [hbm4b:s1+s8], $0x80, s0, s8, $0xb8;
	[tilespmem:$0x15C00] =	vst v63  }
0x81: {  	_ =	swait.ge @p0 [sflag:s6], $0x4000  }
0x82: {  	[sflag:s6] =	ssyncset.done @p0 $0x0  }
0x83: {  	s5 =	sadd.s32 @p0 $0x80, s0;
	[sflag:s6] =	ssyncadd.s32 @p0 $0xFFFFC000;
	s6 =	simm.s32 @p0 $0x5C00  }
0x84: {  	[tilespmem:s6], [sflag:$0x2] =	stream.indirect.gather @p0 [hbm4b:s1+s8], $0x80, s5, s8, $0xb8;
	[tilespmem:$0x15C00] =	vst v63  }
0x85: {  	s5 =	simm.s32 @p0 $0x8  }
0x86: {  	_ =	swait.ge @p0 [sflag:s5], $0x4000  }
0x87: {  	[sflag:s5] =	ssyncset.done @p0 $0x0  }
0x88: {  	s6 =	sadd.s32 @p0 $0x100, s0;
	[sflag:s5] =	ssyncadd.s32 @p0 $0xFFFFC000;
	s5 =	simm.s32 @p0 $0x9C00  }
0x89: {  	[tilespmem:s5], [sflag:$0x3] =	stream.indirect.gather @p0 [hbm4b:s1+s8], $0x80, s6, s8, $0xb8;
	[tilespmem:$0x15C00] =	vst v63  }
0x8a: {  	s5 =	simm.s32 @p0 $0x9  }
0x8b: {  	_ =	swait.ge @p0 [sflag:s5], $0x4000  }
0x8c: {  	[sflag:s5] =	ssyncset.done @p0 $0x0  }
0x8d: {  	s0 =	sadd.s32 @p0 $0x180, s0;
	[sflag:s5] =	ssyncadd.s32 @p0 $0xFFFFC000;
	s5 =	simm.s32 @p0 $0xDC00  }
0x8e: {  	[tilespmem:s5], [sflag:$0x4] =	stream.indirect.gather @p0 [hbm4b:s1+s8], $0x80, s0, s8, $0xb8;
	[tilespmem:$0x15C00] =	vst v63  }
0x8f: {  	s0 =	simm.s32 @p0 $0xA  }
0x90: {  	_ =	swait.ge @p0 [sflag:s0], $0x4000  }
0x91: {  	s6 =	simm.s32 @!p0 $0x0;
	[sflag:s0] =	ssyncset.done @p0 $0x0  }
0x92: {  	s5 =	simm.s32 @!p0 $0x1C00;
	[sflag:s0] =	ssyncadd.s32 @p0 $0xFFFFC000;
	s0 =	simm.s32 @!p0 $0x80  }
0x93: {  	[tilespmem:s5], [sflag:$0x1] =	stream.indirect.gather @!p0 [hbm4b:s1+s0], $0x80, s6, s0, $0xb8;
	[tilespmem:$0x15C00] =	vst v63  }
0x94: {  	s5 =	simm.s32 @!p0 $0x5C00  }
0x95: {  	[tilespmem:s5], [sflag:$0x2] =	stream.indirect.gather @!p0 [hbm4b:s1+s0], $0x80, s0, s0, $0xb8;
	[tilespmem:$0x15C00] =	vst v63  }
0x96: {  	s6 =	simm.s32 @!p0 $0x9C00;
	s5 =	simm.s32 @!p0 $0x100  }
0x97: {  	[tilespmem:s6], [sflag:$0x3] =	stream.indirect.gather @!p0 [hbm4b:s1+s0], $0x80, s5, s0, $0xb8;
	[tilespmem:$0x15C00] =	vst v63  }
0x98: {  	s11 =	sshra.s32 s31, $0x2;
	s5 =	simm.s32 @!p0 $0x180;
	s6 =	simm.s32 @!p0 $0xDC00  }
0x99: {  	[tilespmem:s6], [sflag:$0x4] =	stream.indirect.gather @!p0 [hbm4b:s1+s0], $0x80, s5, s0, $0xb8;
	[tilespmem:$0x15C00] =	vst v63  }
0x9a: {  	s10 =	rddreg [dreg:$0x4];
	s5 =	sadd.s32 $0x200, s11  }
0x9b: {  	[tilespmem:s15], [sflag:$0x5] =	stream.indirect.gather [hbm4b:s1+s10], $0x80, s5, s10, $0xb8;
	[tilespmem:$0x15C00] =	vst v63  }
0x9c: {  	_ =	swait.ge [sflag:s16], $0x4000  }
0x9d: {  	s0 =	sadd.s32 @p0 $0xFFF00000, s29;
	[sflag:s16] =	ssyncset.done $0x0  }
0x9e: {  	s0 =	simm.s32 @!p0 $0x80000;
	s12 =	rddreg [dreg:$0x5];
	[sflag:s16] =	ssyncadd.s32 $0xFFFFC000  }
0x9f: {  	[hbm4b:s30+s4] =	stream.linear.scatter [tilespmem:s12], [sflag:$0x6], $0x4000, $0x38;
	[tilespmem:$0x15C00] =	vst v63  }
0xa0: {  	s0 =	sor.u32 s7, s0;
	_ =	swait.ge [sflag:s17], $0x4000  }
0xa1: {  	s0 =	sshrl.u32 s0, $0x3;
	[sflag:s17] =	ssyncset.done $0x0  }
0xa2: {  	s0 =	sadd.s32 s2, s0;
	s13 =	rddreg [dreg:$0x6];
	[sflag:s17] =	ssyncadd.s32 $0xFFFFC000  }
0xa3: {  	[hbm4b:s0+s4] =	stream.linear.scatter [tilespmem:s13], [sflag:$0x7], $0x4000, $0x38;
	[tilespmem:$0x15C00] =	vst v63  }
0xa4: {  	s0 =	sadd.s32 @p0 $0xFFF80000, s29  }
0xa5: {  	s0 =	simm.s32 @!p0 $0x100000  }
0xa6: {  	_ =	swait.ge [sflag:s18], $0x4000;
	s0 =	sor.u32 s7, s0  }
0xa7: {  	s29 =	simm.s32 @!p0 $0x180000;
	[sflag:s18] =	ssyncset.done $0x0;
	s0 =	sshrl.u32 s0, $0x3  }
0xa8: {  	s14 =	rddreg [dreg:$0x7];
	[sflag:s18] =	ssyncadd.s32 $0xFFFFC000;
	s0 =	sadd.s32 s2, s0  }
0xa9: {  	[hbm4b:s0+s4] =	stream.linear.scatter [tilespmem:s14], [sflag:$0x8], $0x4000, $0x38;
	[tilespmem:$0x15C00] =	vst v63  }
0xaa: {  	s29 =	sor.u32 s7, s29;
	_ =	swait.ge [sflag:s19], $0x4000  }
0xab: {  	s0 =	sshrl.u32 s29, $0x3;
	[sflag:s19] =	ssyncset.done $0x0  }
0xac: {  	s0 =	sadd.s32 s2, s0;
	s30 =	rddreg [dreg:$0x8];
	[sflag:s19] =	ssyncadd.s32 $0xFFFFC000  }
0xad: {  	[hbm4b:s0+s4] =	stream.linear.scatter [tilespmem:s30], [sflag:$0x9], $0x4000, $0x38;
	[tilespmem:$0x15C00] =	vst v63  }
0xae: {  	_ =	swait.ge [sflag:s20], $0x4000  }
0xaf: {  	[sflag:s20] =	ssyncset.done $0x0  }
0xb0: {  	[sflag:s20] =	ssyncadd.s32 $0xFFFFC000  }
0xb1: {  	[hbm4b:s28+s4] =	stream.linear.scatter [tilespmem:s15], [sflag:$0xA], $0x4000, $0x38;
	[tilespmem:$0x15C00] =	vst v63  }
0xb2: {  	_ =	swait.ge [sflag:s21], $0x4000  }
0xb3: {  	[sflag:s21] =	ssyncset.done $0x0  }
0xb4: {  	[sflag:s21] =	ssyncadd.s32 $0xFFFFC000  }
0xb5: {  	_ =	swait.ge [sflag:s22], $0x4000  }
0xb6: {  	[sflag:s22] =	ssyncset.done $0x0  }
0xb7: {  	[sflag:s22] =	ssyncadd.s32 $0xFFFFC000  }
0xb8: {  	_ =	swait.ge [sflag:s23], $0x4000  }
0xb9: {  	[sflag:s23] =	ssyncset.done $0x0  }
0xba: {  	[sflag:s23] =	ssyncadd.s32 $0xFFFFC000  }
0xbb: {  	_ =	swait.ge [sflag:s24], $0x4000  }
0xbc: {  	[sflag:s24] =	ssyncset.done $0x0  }
0xbd: {  	[sflag:s24] =	ssyncadd.s32 $0xFFFFC000  }
0xbe: {  	_ =	swait.ge [sflag:s25], $0x4000  }
0xbf: {  	s26 =	sadd.s32 $0x1, s26;
	s31 =	rddreg [dreg:$0xb]  }
0xc0: {  	p0 =	sne.s32 s26, s31  }
.Ltmp1:
0xc1: {  	_ = 	snop;
	(pc) =	sbr.rel @p0 .LBB2_1-.Ltmp1, $3  }
0xc2: {  	_ =	sdelay $0x1  }
0xc3: {  	[sflag:s25] =	ssyncset.done $0x0  }
0xc4: {  	[sflag:s25] =	ssyncadd.s32 $0xFFFFC000  }
0xc5: {  	_ =	sfence.sel $0x180000  }
0xc6: {  	[bflag:$0x0] =	sbarrier.arrive $0xFFFF  }
0xc7: {  	_ =	strace $0x90000047  }
0xc8: {  	s0 =	stileid.u32;
	[bflag:$0x2] =	sbarrier.arrive $0xFFFF  }
0xc9: {  	p0 =	sne.s32 s0, $0x0;
	s0 =	rddreg [dreg:$0x3]  }
0xca: {  	s0 =	sadd.s32 @!p0 $0x100000, s0  }
0xcb: {  	[sflag:s0] =	ssyncadd.tile.s32 @!p0 $0x1;
	_ =	shalt  }
.Lfunc_end2:
_tile_overlayer_lowered:
.L_overlay_start_2:
0xcc: {  	(tag) =	ssettag $0x2  }
0xcd: {  	s0 =	rddreg [dreg:$0x0];
	s2 =	stileid.u32  }
0xce: {  	s1 =	rddreg [dreg:$0x1];
	p0 =	sne.s32 s2, $0x0  }
0xcf: {  	s3 =	rddreg [dreg:$0x2];
	[bflag:$0x3] =	sbarrier.arrive $0xFFFF;
	s2 =	simm.s32 @!p0 $0x1C0B  }
0xd0: {  	[timem:s3], [sflag:s2] =	dma.local @!p0 [hbm:s0], s1  }
0xd1: {  	s0 =	simm.s32 @!p0 $0xB  }
0xd2: {  	_ =	swait.ge @!p0 [sflag:s0], s1  }
0xd3: {  	s1 =	ssub.s32 @!p0 $0x0, s1;
	[sflag:s0] =	ssyncset.done @!p0 $0x0  }
0xd4: {  	[sflag:s0] =	ssyncadd.s32 @!p0 s1  }
0xd5: {  	[bflag:$0x3] =	sbarrier.arrive $0xFFFF  }
0xd6: {  	_ =	shalt  }

</sc_bundles>
